<compile_context>
chip_gen: v7x
topology: tpu7x:2x2x1
jax: 0.10.2.dev20260603
libtpu: 0.0.44.dev20260713+nightly
codegen_flags: <defaults>
</compile_context>

<pallas_src>
import functools

import jax
import jax.numpy as jnp
from jax import lax
from jax.experimental import pallas as pl
from jax.experimental.pallas import tpu as pltpu
from jax.experimental.pallas import tpu_sc as plsc

B, S, D, E, K, OUT = 4, 2048, 1024, 8, 2, 1024
SBLK = 2048
L = 16
UNROLL = 1
NEG = -3.0e38


def _gate_body(x_ref, wgt_ref, out_ref):
    out_ref[0] = jax.lax.dot_general(
        wgt_ref[...], x_ref[0], (((1,), (1,)), ((), ())),
        preferred_element_type=jnp.float32)


def _route_gather_sc(lg_hbm, x_hbm, rows_hbm, probs_hbm,
                     lrow, idx_v, pv_v, rows_v, sem):
    wid = lax.axis_index("s") * 2 + lax.axis_index("c")
    e = wid // B
    b = wid - e * B
    r = b * E + e
    pltpu.sync_copy(lg_hbm.at[r], lrow)

    lane = lax.iota(jnp.int32, L)

    def scan(c, carry):
        m1v, i1v, m2v, i2v, sume, idxv = carry
        for u in range(UNROLL):
            v = lrow[pl.ds((c * UNROLL + u) * L, L)]
            up1 = v > m1v
            up2 = v > m2v
            m2v = jnp.where(up1, m1v, jnp.where(up2, v, m2v))
            i2v = jnp.where(up1, i1v, jnp.where(up2, idxv, i2v))
            m1v = jnp.where(up1, v, m1v)
            i1v = jnp.where(up1, idxv, i1v)
            sume = sume + jnp.exp(v)
            idxv = idxv + L
        return m1v, i1v, m2v, i2v, sume, idxv

    m1v, i1v, m2v, i2v, sume, _ = lax.fori_loop(
        0, S // (L * UNROLL), scan,
        (jnp.full((L,), NEG, jnp.float32), jnp.full((L,), S, jnp.int32),
         jnp.full((L,), NEG, jnp.float32), jnp.full((L,), S, jnp.int32),
         jnp.zeros((L,), jnp.float32), lane))

    m1 = jnp.max(m1v)
    m1s = jnp.full((L,), m1, jnp.float32)
    i1 = jnp.min(jnp.where(m1v == m1s, i1v, S))
    i1s = jnp.full((L,), i1, jnp.int32)
    star = i1v == i1s
    z = jnp.where(star, m2v, m1v)
    iz = jnp.where(star, i2v, i1v)
    m2 = jnp.max(z)
    m2s = jnp.full((L,), m2, jnp.float32)
    i2 = jnp.min(jnp.where(z == m2s, iz, S))
    ssum = jnp.sum(sume)

    pv = jnp.exp(jnp.where(lane < 1, m1s, m2s)) / jnp.full((L,), ssum,
                                                           jnp.float32)
    plsc.store_scatter(pv_v, [jnp.minimum(lane, 7)], pv, mask=lane < 8)
    pltpu.sync_copy(pv_v, probs_hbm.at[wid])

    g = jnp.where(lane == 0, b * S + i1, b * S + i2)
    plsc.store_scatter(idx_v, [jnp.minimum(lane, K - 1)], g, mask=lane < K)
    pltpu.async_copy(x_hbm.at[idx_v], rows_v, sem).wait()
    pltpu.sync_copy(rows_v, rows_hbm.at[wid])


def _mlp_body(inp_ref, prob_ref, w1_ref, b1_ref, w2_ref, b2_ref, w3_ref,
              b3_ref, out_ref):
    x0 = inp_ref[0, :, 0, :] * prob_ref[0, :, 0:1]
    x1 = inp_ref[0, :, 1, :] * prob_ref[0, :, 1:2]
    h = (jnp.dot(x0, w1_ref[0, 0], preferred_element_type=jnp.float32)
         + jnp.dot(x1, w1_ref[0, 1], preferred_element_type=jnp.float32)
         + b1_ref[0])
    h = jnp.maximum(h, 0.0)
    h = jnp.dot(h, w2_ref[0], preferred_element_type=jnp.float32) + b2_ref[0]
    h = jnp.maximum(h, 0.0)
    out_ref[...] = (
        jnp.dot(h, w3_ref[0], preferred_element_type=jnp.float32) + b3_ref[0])


def kernel(x, Wg, bg, W1, b1, W2, b2, W3, b3):
    del bg

    logits = pl.pallas_call(
        _gate_body,
        grid=(B, S // SBLK),
        in_specs=[
            pl.BlockSpec((1, SBLK, D), lambda b, s: (b, s, 0)),
            pl.BlockSpec((E, D), lambda b, s: (0, 0)),
        ],
        out_specs=pl.BlockSpec((1, E, SBLK), lambda b, s: (b, 0, s)),
        out_shape=jax.ShapeDtypeStruct((B, E, S), jnp.float32),
    )(x, Wg.T)

    mesh = plsc.VectorSubcoreMesh(core_axis_name="c", subcore_axis_name="s")
    rows, probs = functools.partial(
        pl.kernel,
        mesh=mesh,
        compiler_params=pltpu.CompilerParams(needs_layout_passes=False),
        out_type=[
            jax.ShapeDtypeStruct((E * B, K, D), jnp.float32),
            jax.ShapeDtypeStruct((E * B, 8), jnp.float32),
        ],
        scratch_types=[
            pltpu.VMEM((S,), jnp.float32),
            pltpu.VMEM((K,), jnp.int32),
            pltpu.VMEM((8,), jnp.float32),
            pltpu.VMEM((K, D), jnp.float32),
            pltpu.SemaphoreType.DMA,
        ],
    )(_route_gather_sc)(logits.reshape(B * E, S), x.reshape(B * S, D))

    inp = rows.reshape(E, B, K, D)
    probs_e = probs.reshape(E, B, 8)
    W1r = W1.reshape(E, K, D, OUT)
    b1r = b1.reshape(E, 1, OUT)
    b2r = b2.reshape(E, 1, OUT)
    b3r = b3.reshape(E, 1, OUT)

    out = pl.pallas_call(
        _mlp_body,
        grid=(E,),
        in_specs=[
            pl.BlockSpec((1, B, K, D), lambda e: (e, 0, 0, 0)),
            pl.BlockSpec((1, B, 8), lambda e: (e, 0, 0)),
            pl.BlockSpec((1, K, D, OUT), lambda e: (e, 0, 0, 0)),
            pl.BlockSpec((1, 1, OUT), lambda e: (e, 0, 0)),
            pl.BlockSpec((1, OUT, OUT), lambda e: (e, 0, 0)),
            pl.BlockSpec((1, 1, OUT), lambda e: (e, 0, 0)),
            pl.BlockSpec((1, OUT, OUT), lambda e: (e, 0, 0)),
            pl.BlockSpec((1, 1, OUT), lambda e: (e, 0, 0)),
        ],
        out_specs=pl.BlockSpec((B, OUT), lambda e: (0, e)),
        out_shape=jax.ShapeDtypeStruct((B, E * OUT), jnp.float32),
    )(inp, probs_e, W1r, b1r, W2, b2r, W3, b3r)

    return out.reshape(B, E, OUT)

# --- scband reference (transcript-rebuilt; emitter-appended) ---
"""Pipeline reference for scband-moe-fc-tokens-convolution-31275951850273 (READ-ONLY COPY).

The authoritative reference and input builder live on the scoring server;
editing this copy changes nothing except your own understanding.
"""

import jax, jax.numpy as jnp
import numpy as np

B, S, D, E, K, OUT = 4, 2048, 1024, 8, 2, 1024

def setup_inputs(seed: int = 0) -> dict:
    key = jax.random.key(seed)
    ks = jax.random.split(key, 8)
    x = jax.random.normal(ks[0], (B, S, D), dtype=jnp.float32)
    Wg = jax.random.normal(ks[1], (D, E), dtype=jnp.float32) * 0.02
    bg = jnp.zeros((E,), dtype=jnp.float32)
    W1 = jax.random.normal(ks[2], (E, K * D, OUT), dtype=jnp.float32) * 0.02
    b1 = jnp.zeros((E, OUT), dtype=jnp.float32)
    W2 = jax.random.normal(ks[3], (E, OUT, OUT), dtype=jnp.float32) * 0.02
    b2 = jnp.zeros((E, OUT), dtype=jnp.float32)
    W3 = jax.random.normal(ks[4], (E, OUT, OUT), dtype=jnp.float32) * 0.02
    b3 = jnp.zeros((E, OUT), dtype=jnp.float32)
    return {"x": x, "Wg": Wg, "bg": bg, "W1": W1, "b1": b1, "W2": W2, "b2": b2, "W3": W3, "b3": b3}

def reference(x, Wg, bg, W1, b1, W2, b2, W3, b3):
    b, s, d = x.shape
    e = Wg.shape[1]
    k = W1.shape[1] // d
    # gate: softmax over the token (sequence) dimension, per expert
    gate_logits = jnp.einsum('bsd,de->bse', x, Wg) + bg
    gate_prob = jax.nn.softmax(gate_logits, axis=1)  # softmax over dim=-2 (tokens)
    # top-k tokens per expert (torch.topk along dim=-2)
    gp_t = jnp.transpose(gate_prob, (0, 2, 1))  # [b, e, s]
    topk_vals, topk_idx = jax.lax.top_k(gp_t, k)  # [b, e, k]
    # gather selected tokens: [b, e, k, d]
    batch_ar = jnp.arange(b)[:, None, None]
    tokens = x[batch_ar, topk_idx]
    # gather gate probabilities for the selected (token, expert) pairs: [b, e, k]
    expert_ar = jnp.arange(e)[None, :, None]
    probs = gate_prob[batch_ar, topk_idx, expert_ar]
    inp = (tokens * probs[..., None]).reshape(b, e, k * d)
    # per-expert 3-layer MLP (ExpertConvolution)
    h = jax.nn.relu(jnp.einsum('bei,eio->beo', inp, W1) + b1)
    h = jax.nn.relu(jnp.einsum('beo,eop->bep', h, W2) + b2)
    out = jnp.einsum('beo,eop->bep', h, W3) + b3
    return out  # [b, e, out_dim]

if __name__ == "__main__":
    import jax
    _d = setup_inputs()
    print(jax.jit(kernel)(*tuple(_d.values())))

</pallas_src>

<mosaic_0001>
#map = affine_map<(d0, d1) -> (0, 0)>
#map1 = affine_map<(d0, d1) -> (0, 0, 0)>
module attributes {stable_mosaic.version = 14 : i64} {
  func.func @_route_gather_sc(%arg0: i32, %arg1: i32, %arg2: memref<32x2048xf32, #tpu.memory_space<hbm>>, %arg3: memref<8192x1024xf32, #tpu.memory_space<hbm>>, %arg4: memref<32x2x1024xf32, #tpu.memory_space<hbm>>, %arg5: memref<32x8xf32, #tpu.memory_space<hbm>>, %arg6: memref<2048xf32, #tpu.memory_space<vmem>>, %arg7: memref<2xi32, #tpu.memory_space<vmem>>, %arg8: memref<8xf32, #tpu.memory_space<vmem>>, %arg9: memref<2x1024xf32, #tpu.memory_space<vmem>>, %arg10: memref<!tpu.dma_semaphore, #tpu.memory_space<semaphore_mem>>) attributes {dimension_semantics = [#tpu.dimension_semantics<core_parallel>, #tpu.dimension_semantics<subcore_parallel>], iteration_bounds = array<i64: 2, 16>, scalar_prefetch = 0 : i64, scratch_operands = 5 : i64, tpu.core_type = #tpu.core_type<sc_vector_subcore>, window_params = [{transform_indices = #map}, {transform_indices = #map}, {transform_indices = #map1}, {transform_indices = #map}]} {
    %mul3A = arith.constant 2 : i32
    %mul3A_0 = arith.muli %arg1, %mul3A : i32
    %add3A = arith.addi %mul3A_0, %arg0 : i32
    %jit3A = arith.constant 4 : i32
    %div3A = arith.divsi %add3A, %jit3A : i32
    %sign3A = arith.constant 0 : i32
    %sign3A_1 = arith.cmpi sgt, %add3A, %sign3A : i32
    %sign3A_2 = arith.extui %sign3A_1 : i1 to i32
    %sign3A_3 = arith.constant 0 : i32
    %sign3A_4 = arith.cmpi slt, %add3A, %sign3A_3 : i32
    %sign3A_5 = arith.extui %sign3A_4 : i1 to i32
    %sign3A_6 = arith.subi %sign3A_2, %sign3A_5 : i32
    %sign3A_7 = arith.constant 0 : i32
    %sign3A_8 = arith.cmpi sgt, %jit3A, %sign3A_7 : i32
    %sign3A_9 = arith.extui %sign3A_8 : i1 to i32
    %sign3A_10 = arith.constant 0 : i32
    %sign3A_11 = arith.cmpi slt, %jit3A, %sign3A_10 : i32
    %sign3A_12 = arith.extui %sign3A_11 : i1 to i32
    %sign3A_13 = arith.subi %sign3A_9, %sign3A_12 : i32
    %ne3A = arith.cmpi ne, %sign3A_6, %sign3A_13 : i32
    %rem3A = arith.remsi %add3A, %jit3A : i32
    %ne3A_14 = arith.constant 0 : i32
    %ne3A_15 = arith.cmpi ne, %rem3A, %ne3A_14 : i32
    %and3A = arith.andi %ne3A, %ne3A_15 : i1
    %sub3A = arith.constant 1 : i32
    %sub3A_16 = arith.subi %div3A, %sub3A : i32
    %select_n3A = arith.select %and3A, %sub3A_16, %div3A : i32
    %mul3A_17 = arith.constant 4 : i32
    %mul3A_18 = arith.muli %select_n3A, %mul3A_17 : i32
    %sub3A_19 = arith.subi %add3A, %mul3A_18 : i32
    %mul3A_20 = arith.constant 8 : i32
    %mul3A_21 = arith.muli %sub3A_19, %mul3A_20 : i32
    %add3A_22 = arith.addi %mul3A_21, %select_n3A : i32
    "tpu.region"() ({
      %run_scoped3A = tpu.sem_alloc : memref<!tpu.dma_semaphore, #tpu.memory_space<semaphore_mem>>
      %dma_start3A_107 = arith.constant 0 : i32
      %dma_start3A_108 = tpu.memref_slice %arg2[%add3A_22, %dma_start3A_107] : memref<32x2048xf32, #tpu.memory_space<hbm>> -> memref<1x2048xf32, #tpu.memory_space<hbm>>
      %dma_start3A_109 = tpu.memref_squeeze %dma_start3A_108 : memref<1x2048xf32, #tpu.memory_space<hbm>> -> memref<2048xf32, #tpu.memory_space<hbm>>
      %dma_start3A_110 = arith.constant 0 : i32
      %dma_start3A_111 = tpu.memref_slice %arg2[%add3A_22, %dma_start3A_110] : memref<32x2048xf32, #tpu.memory_space<hbm>> -> memref<1x2048xf32, #tpu.memory_space<hbm>>
      %dma_start3A_112 = tpu.memref_squeeze %dma_start3A_111 : memref<1x2048xf32, #tpu.memory_space<hbm>> -> memref<2048xf32, #tpu.memory_space<hbm>>
      tpu.enqueue_dma source(%dma_start3A_112 : memref<2048xf32, #tpu.memory_space<hbm>>) target(%arg6 : memref<2048xf32, #tpu.memory_space<vmem>>) target_semaphore(%run_scoped3A : memref<!tpu.dma_semaphore, #tpu.memory_space<semaphore_mem>>)
      %dma_wait3A_113 = arith.constant 0 : i32
      %dma_wait3A_114 = tpu.memref_slice %arg2[%add3A_22, %dma_wait3A_113] : memref<32x2048xf32, #tpu.memory_space<hbm>> -> memref<1x2048xf32, #tpu.memory_space<hbm>>
      %dma_wait3A_115 = tpu.memref_squeeze %dma_wait3A_114 : memref<1x2048xf32, #tpu.memory_space<hbm>> -> memref<2048xf32, #tpu.memory_space<hbm>>
      %dma_wait3A_116 = arith.constant 0 : i32
      %dma_wait3A_117 = tpu.memref_slice %arg2[%add3A_22, %dma_wait3A_116] : memref<32x2048xf32, #tpu.memory_space<hbm>> -> memref<1x2048xf32, #tpu.memory_space<hbm>>
      %dma_wait3A_118 = tpu.memref_squeeze %dma_wait3A_117 : memref<1x2048xf32, #tpu.memory_space<hbm>> -> memref<2048xf32, #tpu.memory_space<hbm>>
      tpu.wait_dma2 semaphore(%run_scoped3A : memref<!tpu.dma_semaphore, #tpu.memory_space<semaphore_mem>>) src(%dma_wait3A_118 : memref<2048xf32, #tpu.memory_space<hbm>>) dst(%arg6 : memref<2048xf32, #tpu.memory_space<vmem>>)
      tpu.yield
    }) : () -> ()
    %iota3A = tpu.iota {dimensions = array<i32: 0>} : vector<16xi32>
    %broadcast_in_dim3A = arith.constant -3.000000e+38 : f32
    %broadcast_in_dim3A_23 = vector.broadcast %broadcast_in_dim3A : f32 to vector<16xf32>
    %broadcast_in_dim3A_24 = arith.constant 2048 : i32
    %broadcast_in_dim3A_25 = vector.broadcast %broadcast_in_dim3A_24 : i32 to vector<16xi32>
    %broadcast_in_dim3A_26 = arith.constant -3.000000e+38 : f32
    %broadcast_in_dim3A_27 = vector.broadcast %broadcast_in_dim3A_26 : f32 to vector<16xf32>
    %broadcast_in_dim3A_28 = arith.constant 2048 : i32
    %broadcast_in_dim3A_29 = vector.broadcast %broadcast_in_dim3A_28 : i32 to vector<16xi32>
    %broadcast_in_dim3A_30 = arith.constant 0.000000e+00 : f32
    %broadcast_in_dim3A_31 = vector.broadcast %broadcast_in_dim3A_30 : f32 to vector<16xf32>
    %scan3A = arith.constant 0 : i32
    %scan3A_32 = arith.constant 128 : i32
    %scan3A_33 = arith.addi %scan3A, %scan3A_32 : i32
    %scan3A_34 = arith.constant 1 : i32
    %scan3A_35:6 = scf.for %scan3A_107 = %scan3A to %scan3A_33 step %scan3A_34 iter_args(%scan3A_108 = %broadcast_in_dim3A_23, %scan3A_109 = %broadcast_in_dim3A_25, %scan3A_110 = %broadcast_in_dim3A_27, %scan3A_111 = %broadcast_in_dim3A_29, %scan3A_112 = %broadcast_in_dim3A_31, %scan3A_113 = %iota3A) -> (vector<16xf32>, vector<16xi32>, vector<16xf32>, vector<16xi32>, vector<16xf32>, vector<16xi32>)  : i32 {
      %mul3A_114 = arith.constant 1 : i32
      %mul3A_115 = arith.muli %scan3A_107, %mul3A_114 : i32
      %add3A_116 = arith.constant 0 : i32
      %add3A_117 = arith.addi %mul3A_115, %add3A_116 : i32
      %mul3A_118 = arith.constant 16 : i32
      %mul3A_119 = arith.muli %add3A_117, %mul3A_118 : i32
      %get3A = arith.index_cast %mul3A_119 : i32 to index
      %get3A_120 = tpu.vector_load %arg6[%get3A] {strides = array<i32>} : memref<2048xf32, #tpu.memory_space<vmem>>, vector<16xf32>,
      %gt3A = arith.cmpf ogt, %get3A_120, %scan3A_108 : vector<16xf32>
      %gt3A_121 = arith.cmpf ogt, %get3A_120, %scan3A_110 : vector<16xf32>
      %select_n3A_122 = arith.select %gt3A_121, %get3A_120, %scan3A_110 : vector<16xi1>, vector<16xf32>
      %select_n3A_123 = arith.select %gt3A, %scan3A_108, %select_n3A_122 : vector<16xi1>, vector<16xf32>
      %select_n3A_124 = arith.select %gt3A_121, %scan3A_113, %scan3A_111 : vector<16xi1>, vector<16xi32>
      %select_n3A_125 = arith.select %gt3A, %scan3A_109, %select_n3A_124 : vector<16xi1>, vector<16xi32>
      %select_n3A_126 = arith.select %gt3A, %get3A_120, %scan3A_108 : vector<16xi1>, vector<16xf32>
      %select_n3A_127 = arith.select %gt3A, %scan3A_113, %scan3A_109 : vector<16xi1>, vector<16xi32>
      %exp3A_128 = math.exp %get3A_120 : vector<16xf32>
      %add3A_129 = arith.addf %scan3A_112, %exp3A_128 : vector<16xf32>
      %add3A_130 = arith.constant 16 : i32
      %add3A_131 = vector.broadcast %add3A_130 : i32 to vector<16xi32>
      %add3A_132 = arith.addi %scan3A_113, %add3A_131 : vector<16xi32>
      scf.yield %select_n3A_126, %select_n3A_127, %select_n3A_123, %select_n3A_125, %add3A_129, %add3A_132 : vector<16xf32>, vector<16xi32>, vector<16xf32>, vector<16xi32>, vector<16xf32>, vector<16xi32>
    }
    %scan3A_36 = arith.constant 128 : i32
    %reduce_max3A = arith.constant true
    %reduce_max3A_37 = vector.broadcast %reduce_max3A : i1 to vector<16xi1>
    %reduce_max3A_38 = tpu.scan <max>, %scan3A_35#0 masked %reduce_max3A_37 : vector<16xf32>, vector<16xi1> -> vector<16xf32>
    %reduce_max3A_39 = vector.extract %reduce_max3A_38[15] : f32 from vector<16xf32>
    %broadcast_in_dim3A_40 = vector.broadcast %reduce_max3A_39 : f32 to vector<16xf32>
    %eq3A = arith.cmpf oeq, %scan3A_35#0, %broadcast_in_dim3A_40 : vector<16xf32>
    %jit3A_41 = arith.constant 2048 : i32
    %broadcast_in_dim3A_42 = vector.broadcast %jit3A_41 : i32 to vector<16xi32>
    %select_n3A_43 = arith.select %eq3A, %scan3A_35#1, %broadcast_in_dim3A_42 : vector<16xi1>, vector<16xi32>
    %reduce_min3A = arith.constant true
    %reduce_min3A_44 = vector.broadcast %reduce_min3A : i1 to vector<16xi1>
    %reduce_min3A_45 = arith.constant -2147483648 : i32
    %reduce_min3A_46 = vector.broadcast %reduce_min3A_45 : i32 to vector<16xi32>
    %reduce_min3A_47 = arith.xori %select_n3A_43, %reduce_min3A_46 : vector<16xi32>
    %reduce_min3A_48 = tpu.scan <min>, %reduce_min3A_47 masked %reduce_min3A_44 : vector<16xi32>, vector<16xi1> -> vector<16xi32>
    %reduce_min3A_49 = arith.xori %reduce_min3A_48, %reduce_min3A_46 : vector<16xi32>
    %reduce_min3A_50 = vector.extract %reduce_min3A_49[15] : i32 from vector<16xi32>
    %broadcast_in_dim3A_51 = vector.broadcast %reduce_min3A_50 : i32 to vector<16xi32>
    %eq3A_52 = arith.cmpi eq, %scan3A_35#1, %broadcast_in_dim3A_51 : vector<16xi32>
    %select_n3A_53 = arith.select %eq3A_52, %scan3A_35#2, %scan3A_35#0 : vector<16xi1>, vector<16xf32>
    %select_n3A_54 = arith.select %eq3A_52, %scan3A_35#3, %scan3A_35#1 : vector<16xi1>, vector<16xi32>
    %reduce_max3A_55 = arith.constant true
    %reduce_max3A_56 = vector.broadcast %reduce_max3A_55 : i1 to vector<16xi1>
    %reduce_max3A_57 = tpu.scan <max>, %select_n3A_53 masked %reduce_max3A_56 : vector<16xf32>, vector<16xi1> -> vector<16xf32>
    %reduce_max3A_58 = vector.extract %reduce_max3A_57[15] : f32 from vector<16xf32>
    %broadcast_in_dim3A_59 = vector.broadcast %reduce_max3A_58 : f32 to vector<16xf32>
    %eq3A_60 = arith.cmpf oeq, %select_n3A_53, %broadcast_in_dim3A_59 : vector<16xf32>
    %jit3A_61 = arith.constant 2048 : i32
    %broadcast_in_dim3A_62 = vector.broadcast %jit3A_61 : i32 to vector<16xi32>
    %select_n3A_63 = arith.select %eq3A_60, %select_n3A_54, %broadcast_in_dim3A_62 : vector<16xi1>, vector<16xi32>
    %reduce_min3A_64 = arith.constant true
    %reduce_min3A_65 = vector.broadcast %reduce_min3A_64 : i1 to vector<16xi1>
    %reduce_min3A_66 = arith.constant -2147483648 : i32
    %reduce_min3A_67 = vector.broadcast %reduce_min3A_66 : i32 to vector<16xi32>
    %reduce_min3A_68 = arith.xori %select_n3A_63, %reduce_min3A_67 : vector<16xi32>
    %reduce_min3A_69 = tpu.scan <min>, %reduce_min3A_68 masked %reduce_min3A_65 : vector<16xi32>, vector<16xi1> -> vector<16xi32>
    %reduce_min3A_70 = arith.xori %reduce_min3A_69, %reduce_min3A_67 : vector<16xi32>
    %reduce_min3A_71 = vector.extract %reduce_min3A_70[15] : i32 from vector<16xi32>
    %reduce_sum3A = arith.constant true
    %reduce_sum3A_72 = vector.broadcast %reduce_sum3A : i1 to vector<16xi1>
    %reduce_sum3A_73 = tpu.scan <sum>, %scan3A_35#4 masked %reduce_sum3A_72 : vector<16xf32>, vector<16xi1> -> vector<16xf32>
    %reduce_sum3A_74 = vector.extract %reduce_sum3A_73[15] : f32 from vector<16xf32>
    %lt3A = arith.constant 1 : i32
    %lt3A_75 = vector.broadcast %lt3A : i32 to vector<16xi32>
    %lt3A_76 = arith.cmpi slt, %iota3A, %lt3A_75 : vector<16xi32>
    %select_n3A_77 = arith.select %lt3A_76, %broadcast_in_dim3A_40, %broadcast_in_dim3A_59 : vector<16xi1>, vector<16xf32>
    %exp3A = math.exp %select_n3A_77 : vector<16xf32>
    %broadcast_in_dim3A_78 = vector.broadcast %reduce_sum3A_74 : f32 to vector<16xf32>
    %div3A_79 = arith.divf %exp3A, %broadcast_in_dim3A_78 : vector<16xf32>
    %min3A = arith.constant 7 : i32
    %min3A_80 = vector.broadcast %min3A : i32 to vector<16xi32>
    %min3A_81 = arith.minsi %iota3A, %min3A_80 : vector<16xi32>
    %lt3A_82 = arith.constant 8 : i32
    %lt3A_83 = vector.broadcast %lt3A_82 : i32 to vector<16xi32>
    %lt3A_84 = arith.cmpi slt, %iota3A, %lt3A_83 : vector<16xi32>
    tpu.vector_store_idx %arg8[%min3A_81], %div3A_79 masked %lt3A_84 : memref<8xf32, #tpu.memory_space<vmem>>[vector<16xi32>], vector<16xf32>, vector<16xi1>
    "tpu.region"() ({
      %run_scoped3A = tpu.sem_alloc : memref<!tpu.dma_semaphore, #tpu.memory_space<semaphore_mem>>
      %dma_start3A_107 = arith.constant 0 : i32
      %dma_start3A_108 = tpu.memref_slice %arg5[%add3A, %dma_start3A_107] : memref<32x8xf32, #tpu.memory_space<hbm>> -> memref<1x8xf32, #tpu.memory_space<hbm>>
      %dma_start3A_109 = tpu.memref_squeeze %dma_start3A_108 : memref<1x8xf32, #tpu.memory_space<hbm>> -> memref<8xf32, #tpu.memory_space<hbm>>
      %dma_start3A_110 = arith.constant 0 : i32
      %dma_start3A_111 = tpu.memref_slice %arg5[%add3A, %dma_start3A_110] : memref<32x8xf32, #tpu.memory_space<hbm>> -> memref<1x8xf32, #tpu.memory_space<hbm>>
      %dma_start3A_112 = tpu.memref_squeeze %dma_start3A_111 : memref<1x8xf32, #tpu.memory_space<hbm>> -> memref<8xf32, #tpu.memory_space<hbm>>
      tpu.enqueue_dma source(%arg8 : memref<8xf32, #tpu.memory_space<vmem>>) target(%dma_start3A_112 : memref<8xf32, #tpu.memory_space<hbm>>) target_semaphore(%run_scoped3A : memref<!tpu.dma_semaphore, #tpu.memory_space<semaphore_mem>>)
      %dma_wait3A_113 = arith.constant 0 : i32
      %dma_wait3A_114 = tpu.memref_slice %arg5[%add3A, %dma_wait3A_113] : memref<32x8xf32, #tpu.memory_space<hbm>> -> memref<1x8xf32, #tpu.memory_space<hbm>>
      %dma_wait3A_115 = tpu.memref_squeeze %dma_wait3A_114 : memref<1x8xf32, #tpu.memory_space<hbm>> -> memref<8xf32, #tpu.memory_space<hbm>>
      %dma_wait3A_116 = arith.constant 0 : i32
      %dma_wait3A_117 = tpu.memref_slice %arg5[%add3A, %dma_wait3A_116] : memref<32x8xf32, #tpu.memory_space<hbm>> -> memref<1x8xf32, #tpu.memory_space<hbm>>
      %dma_wait3A_118 = tpu.memref_squeeze %dma_wait3A_117 : memref<1x8xf32, #tpu.memory_space<hbm>> -> memref<8xf32, #tpu.memory_space<hbm>>
      tpu.wait_dma2 semaphore(%run_scoped3A : memref<!tpu.dma_semaphore, #tpu.memory_space<semaphore_mem>>) src(%arg8 : memref<8xf32, #tpu.memory_space<vmem>>) dst(%dma_wait3A_118 : memref<8xf32, #tpu.memory_space<hbm>>)
      tpu.yield
    }) : () -> ()
    %eq3A_85 = arith.constant 0 : i32
    %eq3A_86 = vector.broadcast %eq3A_85 : i32 to vector<16xi32>
    %eq3A_87 = arith.cmpi eq, %iota3A, %eq3A_86 : vector<16xi32>
    %mul3A_88 = arith.constant 2048 : i32
    %mul3A_89 = arith.muli %sub3A_19, %mul3A_88 : i32
    %add3A_90 = arith.addi %mul3A_89, %reduce_min3A_50 : i32
    %mul3A_91 = arith.constant 2048 : i32
    %mul3A_92 = arith.muli %sub3A_19, %mul3A_91 : i32
    %add3A_93 = arith.addi %mul3A_92, %reduce_min3A_71 : i32
    %broadcast_in_dim3A_94 = vector.broadcast %add3A_90 : i32 to vector<16xi32>
    %broadcast_in_dim3A_95 = vector.broadcast %add3A_93 : i32 to vector<16xi32>
    %select_n3A_96 = arith.select %eq3A_87, %broadcast_in_dim3A_94, %broadcast_in_dim3A_95 : vector<16xi1>, vector<16xi32>
    %min3A_97 = arith.constant 1 : i32
    %min3A_98 = vector.broadcast %min3A_97 : i32 to vector<16xi32>
    %min3A_99 = arith.minsi %iota3A, %min3A_98 : vector<16xi32>
    %lt3A_100 = arith.constant 2 : i32
    %lt3A_101 = vector.broadcast %lt3A_100 : i32 to vector<16xi32>
    %lt3A_102 = arith.cmpi slt, %iota3A, %lt3A_101 : vector<16xi32>
    tpu.vector_store_idx %arg7[%min3A_99], %select_n3A_96 masked %lt3A_102 : memref<2xi32, #tpu.memory_space<vmem>>[vector<16xi32>], vector<16xi32>, vector<16xi1>
    %dma_start3A = arith.constant 0 : i32
    %dma_start3A_103 = arith.constant 0 : i32
    %dma_start3A_104 = tpu.memref_slice %arg3[%dma_start3A, %dma_start3A_103] : memref<8192x1024xf32, #tpu.memory_space<hbm>> -> memref<8192x1024xf32, #tpu.memory_space<hbm>>
    tpu.enqueue_indirect_dma source(%dma_start3A_104 : memref<8192x1024xf32, #tpu.memory_space<hbm>>) target(%arg9 : memref<2x1024xf32, #tpu.memory_space<vmem>>) offsets(%arg7 : memref<2xi32, #tpu.memory_space<vmem>>) semaphore(%arg10 : memref<!tpu.dma_semaphore, #tpu.memory_space<semaphore_mem>>)
    %dma_wait3A = arith.constant 0 : i32
    %dma_wait3A_105 = arith.constant 0 : i32
    %dma_wait3A_106 = tpu.memref_slice %arg3[%dma_wait3A, %dma_wait3A_105] : memref<8192x1024xf32, #tpu.memory_space<hbm>> -> memref<8192x1024xf32, #tpu.memory_space<hbm>>
    tpu.wait_indirect_dma semaphore(%arg10 : memref<!tpu.dma_semaphore, #tpu.memory_space<semaphore_mem>>) src(%dma_wait3A_106 : memref<8192x1024xf32, #tpu.memory_space<hbm>>) dst(%arg9 : memref<2x1024xf32, #tpu.memory_space<vmem>>)
    "tpu.region"() ({
      %run_scoped3A = tpu.sem_alloc : memref<!tpu.dma_semaphore, #tpu.memory_space<semaphore_mem>>
      %dma_start3A_107 = arith.constant 0 : i32
      %dma_start3A_108 = arith.constant 0 : i32
      %dma_start3A_109 = tpu.memref_slice %arg4[%add3A, %dma_start3A_107, %dma_start3A_108] : memref<32x2x1024xf32, #tpu.memory_space<hbm>> -> memref<1x2x1024xf32, #tpu.memory_space<hbm>>
      %dma_start3A_110 = tpu.memref_squeeze %dma_start3A_109 : memref<1x2x1024xf32, #tpu.memory_space<hbm>> -> memref<2x1024xf32, #tpu.memory_space<hbm>>
      %dma_start3A_111 = arith.constant 0 : i32
      %dma_start3A_112 = arith.constant 0 : i32
      %dma_start3A_113 = tpu.memref_slice %arg4[%add3A, %dma_start3A_111, %dma_start3A_112] : memref<32x2x1024xf32, #tpu.memory_space<hbm>> -> memref<1x2x1024xf32, #tpu.memory_space<hbm>>
      %dma_start3A_114 = tpu.memref_squeeze %dma_start3A_113 : memref<1x2x1024xf32, #tpu.memory_space<hbm>> -> memref<2x1024xf32, #tpu.memory_space<hbm>>
      tpu.enqueue_dma source(%arg9 : memref<2x1024xf32, #tpu.memory_space<vmem>>) target(%dma_start3A_114 : memref<2x1024xf32, #tpu.memory_space<hbm>>) target_semaphore(%run_scoped3A : memref<!tpu.dma_semaphore, #tpu.memory_space<semaphore_mem>>)
      %dma_wait3A_115 = arith.constant 0 : i32
      %dma_wait3A_116 = arith.constant 0 : i32
      %dma_wait3A_117 = tpu.memref_slice %arg4[%add3A, %dma_wait3A_115, %dma_wait3A_116] : memref<32x2x1024xf32, #tpu.memory_space<hbm>> -> memref<1x2x1024xf32, #tpu.memory_space<hbm>>
      %dma_wait3A_118 = tpu.memref_squeeze %dma_wait3A_117 : memref<1x2x1024xf32, #tpu.memory_space<hbm>> -> memref<2x1024xf32, #tpu.memory_space<hbm>>
      %dma_wait3A_119 = arith.constant 0 : i32
      %dma_wait3A_120 = arith.constant 0 : i32
      %dma_wait3A_121 = tpu.memref_slice %arg4[%add3A, %dma_wait3A_119, %dma_wait3A_120] : memref<32x2x1024xf32, #tpu.memory_space<hbm>> -> memref<1x2x1024xf32, #tpu.memory_space<hbm>>
      %dma_wait3A_122 = tpu.memref_squeeze %dma_wait3A_121 : memref<1x2x1024xf32, #tpu.memory_space<hbm>> -> memref<2x1024xf32, #tpu.memory_space<hbm>>
      tpu.wait_dma2 semaphore(%run_scoped3A : memref<!tpu.dma_semaphore, #tpu.memory_space<semaphore_mem>>) src(%arg9 : memref<2x1024xf32, #tpu.memory_space<vmem>>) dst(%dma_wait3A_122 : memref<2x1024xf32, #tpu.memory_space<hbm>>)
      tpu.yield
    }) : () -> ()
    return
  }
}

module attributes {stable_mosaic.version = 14 : i64} {
  func.func @_gate_body(%arg0: i32, %arg1: i32, %arg2: memref<1x2048x1024xf32, #tpu.memory_space<vmem>>, %arg3: memref<8x1024xf32, #tpu.memory_space<vmem>>, %arg4: memref<1x8x2048xf32, #tpu.memory_space<vmem>>) attributes {dimension_semantics = [#tpu.dimension_semantics<arbitrary>, #tpu.dimension_semantics<arbitrary>], iteration_bounds = array<i64: 4, 1>, scalar_prefetch = 0 : i64, scratch_operands = 0 : i64, tpu.core_type = #tpu.core_type<tc>, window_params = [{transform_indices = @transform_0, window_bounds = array<i64: 1, 2048, 1024>}, {pipeline_mode = #tpu.pipeline_mode<synchronous>, transform_indices = @transform_1, window_bounds = array<i64: 8, 1024>}, {transform_indices = @transform_2, window_bounds = array<i64: 1, 8, 2048>}]} {
    %get3A = arith.constant 0 : index
    %get3A_0 = arith.constant 0 : index
    %get3A_1 = vector.load %arg3[%get3A, %get3A_0] : memref<8x1024xf32, #tpu.memory_space<vmem>>, vector<8x1024xf32>
    %get3A_2 = arith.constant 0 : index
    %get3A_3 = arith.constant 0 : index
    %get3A_4 = arith.constant 0 : index
    %get3A_5 = vector.load %arg2[%get3A_2, %get3A_3, %get3A_4] : memref<1x2048x1024xf32, #tpu.memory_space<vmem>>, vector<1x2048x1024xf32>
    %get3A_6 = vector.shape_cast %get3A_5 : vector<1x2048x1024xf32> to vector<2048x1024xf32>
    %dot_general3A = arith.constant dense<0.000000e+00> : vector<8x2048xf32>
    %dot_general3A_7 = tpu.matmul %get3A_1, %get3A_6, %dot_general3A {dimension_numbers = #tpu.dot_dimension_numbers<[1], [1], [0], [0], [0, 0, 1, 0], [], []>, transpose_lhs_hint = false} : vector<8x1024xf32>, vector<2048x1024xf32>, vector<8x2048xf32> -> vector<8x2048xf32>
    %swap3A = arith.constant 0 : index
    %swap3A_8 = arith.constant 0 : index
    %swap3A_9 = arith.constant 0 : index
    %swap3A_10 = vector.load %arg4[%swap3A, %swap3A_8, %swap3A_9] : memref<1x8x2048xf32, #tpu.memory_space<vmem>>, vector<1x8x2048xf32>
    %swap3A_11 = vector.shape_cast %swap3A_10 : vector<1x8x2048xf32> to vector<8x2048xf32>
    %swap3A_12 = vector.shape_cast %dot_general3A_7 : vector<8x2048xf32> to vector<1x8x2048xf32>
    tpu.vector_store %arg4[%swap3A, %swap3A_8, %swap3A_9], %swap3A_12 {strides = array<i32>} : memref<1x8x2048xf32, #tpu.memory_space<vmem>>, vector<1x8x2048xf32>,
    return
  }
  func.func @transform_0(%arg0: i32, %arg1: i32) -> (i32, i32, i32) {
    %c0_i32 = arith.constant 0 : i32
    %c0_i32_0 = arith.constant 0 : i32
    return %arg0, %arg1, %c0_i32 : i32, i32, i32
  }
  func.func @transform_1(%arg0: i32, %arg1: i32) -> (i32, i32) {
    %c0_i32 = arith.constant 0 : i32
    %c0_i32_0 = arith.constant 0 : i32
    %c0_i32_1 = arith.constant 0 : i32
    return %c0_i32, %c0_i32_0 : i32, i32
  }
  func.func @transform_2(%arg0: i32, %arg1: i32) -> (i32, i32, i32) {
    %c0_i32 = arith.constant 0 : i32
    %c0_i32_0 = arith.constant 0 : i32
    return %arg0, %c0_i32, %arg1 : i32, i32, i32
  }
}

module attributes {stable_mosaic.version = 14 : i64} {
  func.func @_mlp_body(%arg0: i32, %arg1: memref<1x4x2x1024xf32, #tpu.memory_space<vmem>>, %arg2: memref<1x4x8xf32, #tpu.memory_space<vmem>>, %arg3: memref<1x2x1024x1024xf32, #tpu.memory_space<vmem>>, %arg4: memref<1x1x1024xf32, #tpu.memory_space<vmem>>, %arg5: memref<1x1024x1024xf32, #tpu.memory_space<vmem>>, %arg6: memref<1x1x1024xf32, #tpu.memory_space<vmem>>, %arg7: memref<1x1024x1024xf32, #tpu.memory_space<vmem>>, %arg8: memref<1x1x1024xf32, #tpu.memory_space<vmem>>, %arg9: memref<4x1024xf32, #tpu.memory_space<vmem>>) attributes {dimension_semantics = [#tpu.dimension_semantics<arbitrary>], iteration_bounds = array<i64: 8>, scalar_prefetch = 0 : i64, scratch_operands = 0 : i64, tpu.core_type = #tpu.core_type<tc>, window_params = [{transform_indices = @transform_0, window_bounds = array<i64: 1, 4, 2, 1024>}, {transform_indices = @transform_1, window_bounds = array<i64: 1, 4, 8>}, {transform_indices = @transform_2, window_bounds = array<i64: 1, 2, 1024, 1024>}, {transform_indices = @transform_3, window_bounds = array<i64: 1, 1, 1024>}, {transform_indices = @transform_4, window_bounds = array<i64: 1, 1024, 1024>}, {transform_indices = @transform_5, window_bounds = array<i64: 1, 1, 1024>}, {transform_indices = @transform_6, window_bounds = array<i64: 1, 1024, 1024>}, {transform_indices = @transform_7, window_bounds = array<i64: 1, 1, 1024>}, {transform_indices = @transform_8, window_bounds = array<i64: 4, 1024>}]} {
    %get3A = arith.constant 0 : index
    %get3A_0 = arith.constant 0 : index
    %get3A_1 = arith.constant 0 : index
    %get3A_2 = arith.constant 0 : index
    %get3A_3 = vector.load %arg1[%get3A, %get3A_0, %get3A_1, %get3A_2] : memref<1x4x2x1024xf32, #tpu.memory_space<vmem>>, vector<1x4x1x1024xf32>
    %get3A_4 = vector.shape_cast %get3A_3 : vector<1x4x1x1024xf32> to vector<4x1024xf32>
    %get3A_5 = arith.constant 0 : index
    %get3A_6 = arith.constant 0 : index
    %get3A_7 = arith.constant 0 : index
    %get3A_8 = vector.load %arg2[%get3A_5, %get3A_6, %get3A_7] : memref<1x4x8xf32, #tpu.memory_space<vmem>>, vector<1x4x1xf32>
    %get3A_9 = vector.shape_cast %get3A_8 : vector<1x4x1xf32> to vector<4x1xf32>
    %mul3A = vector.broadcast %get3A_9 : vector<4x1xf32> to vector<4x1024xf32>
    %mul3A_10 = arith.mulf %get3A_4, %mul3A : vector<4x1024xf32>
    %get3A_11 = arith.constant 0 : index
    %get3A_12 = arith.constant 0 : index
    %get3A_13 = arith.constant 1 : index
    %get3A_14 = arith.constant 0 : index
    %get3A_15 = vector.load %arg1[%get3A_11, %get3A_12, %get3A_13, %get3A_14] : memref<1x4x2x1024xf32, #tpu.memory_space<vmem>>, vector<1x4x1x1024xf32>
    %get3A_16 = vector.shape_cast %get3A_15 : vector<1x4x1x1024xf32> to vector<4x1024xf32>
    %get3A_17 = arith.constant 0 : index
    %get3A_18 = arith.constant 0 : index
    %get3A_19 = arith.constant 1 : index
    %get3A_20 = vector.load %arg2[%get3A_17, %get3A_18, %get3A_19] : memref<1x4x8xf32, #tpu.memory_space<vmem>>, vector<1x4x1xf32>
    %get3A_21 = vector.shape_cast %get3A_20 : vector<1x4x1xf32> to vector<4x1xf32>
    %mul3A_22 = vector.broadcast %get3A_21 : vector<4x1xf32> to vector<4x1024xf32>
    %mul3A_23 = arith.mulf %get3A_16, %mul3A_22 : vector<4x1024xf32>
    %get3A_24 = arith.constant 0 : index
    %get3A_25 = arith.constant 0 : index
    %get3A_26 = arith.constant 0 : index
    %get3A_27 = arith.constant 0 : index
    %get3A_28 = vector.load %arg3[%get3A_24, %get3A_25, %get3A_26, %get3A_27] : memref<1x2x1024x1024xf32, #tpu.memory_space<vmem>>, vector<1x1x1024x1024xf32>
    %get3A_29 = vector.shape_cast %get3A_28 : vector<1x1x1024x1024xf32> to vector<1024x1024xf32>
    %dot_general3A = arith.constant dense<0.000000e+00> : vector<4x1024xf32>
    %dot_general3A_30 = tpu.matmul %mul3A_10, %get3A_29, %dot_general3A {dimension_numbers = #tpu.dot_dimension_numbers<[1], [0], [0], [1], [0, 0, 1, 1], [], []>, transpose_lhs_hint = false} : vector<4x1024xf32>, vector<1024x1024xf32>, vector<4x1024xf32> -> vector<4x1024xf32>
    %get3A_31 = arith.constant 0 : index
    %get3A_32 = arith.constant 1 : index
    %get3A_33 = arith.constant 0 : index
    %get3A_34 = arith.constant 0 : index
    %get3A_35 = vector.load %arg3[%get3A_31, %get3A_32, %get3A_33, %get3A_34] : memref<1x2x1024x1024xf32, #tpu.memory_space<vmem>>, vector<1x1x1024x1024xf32>
    %get3A_36 = vector.shape_cast %get3A_35 : vector<1x1x1024x1024xf32> to vector<1024x1024xf32>
    %dot_general3A_37 = arith.constant dense<0.000000e+00> : vector<4x1024xf32>
    %dot_general3A_38 = tpu.matmul %mul3A_23, %get3A_36, %dot_general3A_37 {dimension_numbers = #tpu.dot_dimension_numbers<[1], [0], [0], [1], [0, 0, 1, 1], [], []>, transpose_lhs_hint = false} : vector<4x1024xf32>, vector<1024x1024xf32>, vector<4x1024xf32> -> vector<4x1024xf32>
    %add3A = arith.addf %dot_general3A_30, %dot_general3A_38 : vector<4x1024xf32>
    %get3A_39 = arith.constant 0 : index
    %get3A_40 = arith.constant 0 : index
    %get3A_41 = arith.constant 0 : index
    %get3A_42 = vector.load %arg4[%get3A_39, %get3A_40, %get3A_41] : memref<1x1x1024xf32, #tpu.memory_space<vmem>>, vector<1x1x1024xf32>
    %get3A_43 = vector.shape_cast %get3A_42 : vector<1x1x1024xf32> to vector<1x1024xf32>
    %add3A_44 = vector.broadcast %get3A_43 : vector<1x1024xf32> to vector<4x1024xf32>
    %add3A_45 = arith.addf %add3A, %add3A_44 : vector<4x1024xf32>
    %max3A = arith.constant 0.000000e+00 : f32
    %max3A_46 = vector.broadcast %max3A : f32 to vector<4x1024xf32>
    %max3A_47 = arith.maximumf %add3A_45, %max3A_46 : vector<4x1024xf32>
    %get3A_48 = arith.constant 0 : index
    %get3A_49 = arith.constant 0 : index
    %get3A_50 = arith.constant 0 : index
    %get3A_51 = vector.load %arg5[%get3A_48, %get3A_49, %get3A_50] : memref<1x1024x1024xf32, #tpu.memory_space<vmem>>, vector<1x1024x1024xf32>
    %get3A_52 = vector.shape_cast %get3A_51 : vector<1x1024x1024xf32> to vector<1024x1024xf32>
    %dot_general3A_53 = arith.constant dense<0.000000e+00> : vector<4x1024xf32>
    %dot_general3A_54 = tpu.matmul %max3A_47, %get3A_52, %dot_general3A_53 {dimension_numbers = #tpu.dot_dimension_numbers<[1], [0], [0], [1], [0, 0, 1, 1], [], []>, transpose_lhs_hint = false} : vector<4x1024xf32>, vector<1024x1024xf32>, vector<4x1024xf32> -> vector<4x1024xf32>
    %get3A_55 = arith.constant 0 : index
    %get3A_56 = arith.constant 0 : index
    %get3A_57 = arith.constant 0 : index
    %get3A_58 = vector.load %arg6[%get3A_55, %get3A_56, %get3A_57] : memref<1x1x1024xf32, #tpu.memory_space<vmem>>, vector<1x1x1024xf32>
    %get3A_59 = vector.shape_cast %get3A_58 : vector<1x1x1024xf32> to vector<1x1024xf32>
    %add3A_60 = vector.broadcast %get3A_59 : vector<1x1024xf32> to vector<4x1024xf32>
    %add3A_61 = arith.addf %dot_general3A_54, %add3A_60 : vector<4x1024xf32>
    %max3A_62 = arith.constant 0.000000e+00 : f32
    %max3A_63 = vector.broadcast %max3A_62 : f32 to vector<4x1024xf32>
    %max3A_64 = arith.maximumf %add3A_61, %max3A_63 : vector<4x1024xf32>
    %get3A_65 = arith.constant 0 : index
    %get3A_66 = arith.constant 0 : index
    %get3A_67 = arith.constant 0 : index
    %get3A_68 = vector.load %arg7[%get3A_65, %get3A_66, %get3A_67] : memref<1x1024x1024xf32, #tpu.memory_space<vmem>>, vector<1x1024x1024xf32>
    %get3A_69 = vector.shape_cast %get3A_68 : vector<1x1024x1024xf32> to vector<1024x1024xf32>
    %dot_general3A_70 = arith.constant dense<0.000000e+00> : vector<4x1024xf32>
    %dot_general3A_71 = tpu.matmul %max3A_64, %get3A_69, %dot_general3A_70 {dimension_numbers = #tpu.dot_dimension_numbers<[1], [0], [0], [1], [0, 0, 1, 1], [], []>, transpose_lhs_hint = false} : vector<4x1024xf32>, vector<1024x1024xf32>, vector<4x1024xf32> -> vector<4x1024xf32>
    %get3A_72 = arith.constant 0 : index
    %get3A_73 = arith.constant 0 : index
    %get3A_74 = arith.constant 0 : index
    %get3A_75 = vector.load %arg8[%get3A_72, %get3A_73, %get3A_74] : memref<1x1x1024xf32, #tpu.memory_space<vmem>>, vector<1x1x1024xf32>
    %get3A_76 = vector.shape_cast %get3A_75 : vector<1x1x1024xf32> to vector<1x1024xf32>
    %add3A_77 = vector.broadcast %get3A_76 : vector<1x1024xf32> to vector<4x1024xf32>
    %add3A_78 = arith.addf %dot_general3A_71, %add3A_77 : vector<4x1024xf32>
    %swap3A = arith.constant 0 : index
    %swap3A_79 = arith.constant 0 : index
    %swap3A_80 = vector.load %arg9[%swap3A, %swap3A_79] : memref<4x1024xf32, #tpu.memory_space<vmem>>, vector<4x1024xf32>
    tpu.vector_store %arg9[%swap3A, %swap3A_79], %add3A_78 {strides = array<i32>} : memref<4x1024xf32, #tpu.memory_space<vmem>>, vector<4x1024xf32>,
    return
  }
  func.func @transform_0(%arg0: i32) -> (i32, i32, i32, i32) {
    %c0_i32 = arith.constant 0 : i32
    %c0_i32_0 = arith.constant 0 : i32
    %c0_i32_1 = arith.constant 0 : i32
    %c0_i32_2 = arith.constant 0 : i32
    return %arg0, %c0_i32, %c0_i32_0, %c0_i32_1 : i32, i32, i32, i32
  }
  func.func @transform_1(%arg0: i32) -> (i32, i32, i32) {
    %c0_i32 = arith.constant 0 : i32
    %c0_i32_0 = arith.constant 0 : i32
    %c0_i32_1 = arith.constant 0 : i32
    return %arg0, %c0_i32, %c0_i32_0 : i32, i32, i32
  }
  func.func @transform_2(%arg0: i32) -> (i32, i32, i32, i32) {
    %c0_i32 = arith.constant 0 : i32
    %c0_i32_0 = arith.constant 0 : i32
    %c0_i32_1 = arith.constant 0 : i32
    %c0_i32_2 = arith.constant 0 : i32
    return %arg0, %c0_i32, %c0_i32_0, %c0_i32_1 : i32, i32, i32, i32
  }
  func.func @transform_3(%arg0: i32) -> (i32, i32, i32) {
    %c0_i32 = arith.constant 0 : i32
    %c0_i32_0 = arith.constant 0 : i32
    %c0_i32_1 = arith.constant 0 : i32
    return %arg0, %c0_i32, %c0_i32_0 : i32, i32, i32
  }
  func.func @transform_4(%arg0: i32) -> (i32, i32, i32) {
    %c0_i32 = arith.constant 0 : i32
    %c0_i32_0 = arith.constant 0 : i32
    %c0_i32_1 = arith.constant 0 : i32
    return %arg0, %c0_i32, %c0_i32_0 : i32, i32, i32
  }
  func.func @transform_5(%arg0: i32) -> (i32, i32, i32) {
    %c0_i32 = arith.constant 0 : i32
    %c0_i32_0 = arith.constant 0 : i32
    %c0_i32_1 = arith.constant 0 : i32
    return %arg0, %c0_i32, %c0_i32_0 : i32, i32, i32
  }
  func.func @transform_6(%arg0: i32) -> (i32, i32, i32) {
    %c0_i32 = arith.constant 0 : i32
    %c0_i32_0 = arith.constant 0 : i32
    %c0_i32_1 = arith.constant 0 : i32
    return %arg0, %c0_i32, %c0_i32_0 : i32, i32, i32
  }
  func.func @transform_7(%arg0: i32) -> (i32, i32, i32) {
    %c0_i32 = arith.constant 0 : i32
    %c0_i32_0 = arith.constant 0 : i32
    %c0_i32_1 = arith.constant 0 : i32
    return %arg0, %c0_i32, %c0_i32_0 : i32, i32, i32
  }
  func.func @transform_8(%arg0: i32) -> (i32, i32) {
    %c0_i32 = arith.constant 0 : i32
    %c0_i32_0 = arith.constant 0 : i32
    return %c0_i32, %arg0 : i32, i32
  }
}

</mosaic_0001>

<sc_bundles>
// kernel: kernel.5.cloned.1.call-start
scs
__scs_entry_jumppad:
0x0: {  	(pc) =	sbr.rel $0x88, $3  }
0x1: {  	(tag) =	ssettag $0x0;
	lr =	simm.s32 $0x1  }
0x2: {  	[smem:$0x3F99] =	sst lr;
	_ =	strace $0xD0000000  }
0x3: {  	_ = 	snop  }
0x4: {  	_ = 	snop  }
0x5: {  	_ = 	snop  }
0x6: {  	_ = 	snop  }
0x7: {  	_ = 	snop  }
__scs_overlays_trampoline_lowered:
0x8: {  	[smem:$0x3FA8] =	sst s0  }
0x9: {  	[smem:$0x3FA9] =	sst s1  }
0xa: {  	[smem:$0x3FAA] =	sst s2  }
0xb: {  	[smem:$0x3FAB] =	sst s3  }
0xc: {  	[smem:$0x3FAC] =	sst s4  }
0xd: {  	[smem:$0x3FAD] =	sst s5  }
0xe: {  	[smem:$0x3FAE] =	sst s6  }
0xf: {  	[smem:$0x3FAF] =	sst s7  }
0x10: {  	[smem:$0x3FB0] =	sst s8  }
0x11: {  	[smem:$0x3FB1] =	sst s9;
	s0 =	simm.s32 @!p0 $0x0  }
0x12: {  	s1 =	sld [smem:$0x3F97];
	s0 =	simm.s32 @p0 $0x1  }
0x13: {  	[smem:$0x3FB2] =	sst s0;
	s0 =	simm.s32 @!p1 $0x0  }
0x14: {  	s2 =	sld [smem:$0x3F96];
	s0 =	simm.s32 @p1 $0x1  }
0x15: {  	[smem:$0x3FB3] =	sst s0;
	s0 =	simm.s32 @!p2 $0x0  }
0x16: {  	s3 =	sld [smem:$0x3FDB];
	s0 =	simm.s32 @p2 $0x1  }
0x17: {  	s4 =	simm.s32 $0x1BF5;
	[smem:$0x3FB5] =	sst s0  }
0x18: {  	s0 =	sld [smem:$0x3F98];
	_ =	swait.ge [sflag:s4], $0x0  }
0x19: {  	s7 =	sld [smem:$0x3F99]  }
0x1a: {  	s8 =	sadd.s32 $0xFFFFE003, lr  }
0x1b: {  	s9 =	sadd.s32 $0xFFFFFEF7, lr;
	s5 =	simm.s32 $0xFFFFFFFF;
	p2 =	slt.u32 s8, $0xFFFFF086  }
0x1c: {  	p1 =	slt.u32 s9, $0xF7A;
	s5 =	simm.s32 @!p2 $0x0  }
0x1d: {  	s5 =	simm.s32 @p1 $0x1;
	p0 =	seq.s32 s7, s2  }
0x1e: {  	s7 =	smul.u32 @!p0 $0xF7A, s2;
	p2 =	seq.s32 @!p0 s5, $0x0  }
0x1f: {  	s9 =	smul.u32 $0xF7A, s1;
	s8 =	simm.s32 @!p0 $0x1BF5;
	p2 =	por !p2, p0  }
0x20: {  	[sflag:s8] =	ssyncset.s32 @!p0 $0xFFFFF086;
	s6 =	sadd.s32 @!p0 s3, s7;
	s7 =	simm.s32 @!p0 $0x108  }
0x21: {  	s3 =	sadd.s32 s3, s9;
	s6 =	sadd.s32 @!p0 $0x88, s6;
	s7 =	simm.s32 @p2 $0x1082  }
0x22: {  	[simem:s7], [sflag:s8] =	dma.local @!p0 [hbm:s6], $0xF7A  }
0x23: {  	s9 =	sor.u32 $0xD0000000, s2;
	s6 =	simm.s32 $0x108;
	_ =	swait.ge @!p0 [sflag:s8], $0x0  }
0x24: {  	s3 =	sadd.s32 $0x88, s3;
	s6 =	simm.s32 @!p1 $0x1082;
	[sflag:s4] =	ssyncset.s32 $0xFFFFF086  }
0x25: {  	[simem:s6], [sflag:s4] =	dma.local [hbm:s3], $0xF7A  }
0x26: {  	[smem:$0x3F99] =	sst s1;
	(tag) =	ssettag s2;
	_ =	strace s9  }
0x27: {  	s1 =	sld [smem:$0x3FA9]  }
0x28: {  	s2 =	sld [smem:$0x3FAA]  }
0x29: {  	s4 =	sld [smem:$0x3FAC]  }
0x2a: {  	p0 =	seq.s32 s5, $0x0;
	s5 =	sld [smem:$0x3FAD]  }
0x2b: {  	s6 =	sld [smem:$0x3FAE]  }
0x2c: {  	s7 =	sld [smem:$0x3FAF]  }
0x2d: {  	s3 =	simm.s32 $0x108;
	s8 =	sld [smem:$0x3FB0]  }
0x2e: {  	s3 =	simm.s32 @!p0 $0x1082;
	s9 =	sld [smem:$0x3FB1]  }
0x2f: {  	lr =	sadd.s32 s0, s3;
	s0 =	sld [smem:$0x3FA8]  }
0x30: {  	s3 =	sld [smem:$0x3FAB]  }
0x31: {  	[smem:$0x3FB4] =	sst s10  }
0x32: {  	s10 =	sld [smem:$0x3FB2];
	_ =	sdelay $0x3  }
0x33: {  	p0 =	seq.s32 s10, $0x1;
	s10 =	sld [smem:$0x3FB4];
	_ =	sdelay $0x3  }
0x34: {  	[smem:$0x3FB4] =	sst s10  }
0x35: {  	s10 =	sld [smem:$0x3FB3];
	_ =	sdelay $0x3  }
0x36: {  	p1 =	seq.s32 s10, $0x1;
	s10 =	sld [smem:$0x3FB4];
	_ =	sdelay $0x3  }
0x37: {  	[smem:$0x3FB4] =	sst s10  }
0x38: {  	s10 =	sld [smem:$0x3FB5]  }
0x39: {  	_ = 	snop;
	(pc) =	sbr.ind lr, $3  }
0x3a: {  	_ = 	snop  }
0x3b: {  	_ = 	snop  }
0x3c: {  	p2 =	seq.s32 s10, $0x1;
	s10 =	sld [smem:$0x3FB4]  }
0x3d: {  	_ =	shalt  }
0x3e: {  	_ =	shalt  }
0x3f: {  	_ =	shalt  }
0x40: {  	_ =	shalt  }
0x41: {  	_ =	shalt  }
0x42: {  	_ =	shalt  }
0x43: {  	_ =	shalt  }
0x44: {  	_ =	shalt  }
0x45: {  	_ =	shalt  }
0x46: {  	_ =	shalt  }
0x47: {  	_ =	shalt  }
0x48: {  	_ =	shalt  }
0x49: {  	_ =	shalt  }
0x4a: {  	_ =	shalt  }
0x4b: {  	_ =	shalt  }
0x4c: {  	_ =	shalt  }
0x4d: {  	_ =	shalt  }
0x4e: {  	_ =	shalt  }
0x4f: {  	_ =	shalt  }
0x50: {  	_ =	shalt  }
0x51: {  	_ =	shalt  }
0x52: {  	_ =	shalt  }
0x53: {  	_ =	shalt  }
0x54: {  	_ =	shalt  }
0x55: {  	_ =	shalt  }
0x56: {  	_ =	shalt  }
0x57: {  	_ =	shalt  }
0x58: {  	_ =	shalt  }
0x59: {  	_ =	shalt  }
0x5a: {  	_ =	shalt  }
0x5b: {  	_ =	shalt  }
0x5c: {  	_ =	shalt  }
0x5d: {  	_ =	shalt  }
0x5e: {  	_ =	shalt  }
0x5f: {  	_ =	shalt  }
0x60: {  	_ =	shalt  }
0x61: {  	_ =	shalt  }
0x62: {  	_ =	shalt  }
0x63: {  	_ =	shalt  }
0x64: {  	_ =	shalt  }
0x65: {  	_ =	shalt  }
0x66: {  	_ =	shalt  }
0x67: {  	_ =	shalt  }
0x68: {  	_ =	shalt  }
0x69: {  	_ =	shalt  }
0x6a: {  	_ =	shalt  }
0x6b: {  	_ =	shalt  }
0x6c: {  	_ =	shalt  }
0x6d: {  	_ =	shalt  }
0x6e: {  	_ =	shalt  }
0x6f: {  	_ =	shalt  }
0x70: {  	_ =	shalt  }
0x71: {  	_ =	shalt  }
0x72: {  	_ =	shalt  }
0x73: {  	_ =	shalt  }
0x74: {  	_ =	shalt  }
0x75: {  	_ =	shalt  }
0x76: {  	_ =	shalt  }
0x77: {  	_ =	shalt  }
0x78: {  	_ =	shalt  }
0x79: {  	_ =	shalt  }
0x7a: {  	_ =	shalt  }
0x7b: {  	_ =	shalt  }
0x7c: {  	_ =	shalt  }
0x7d: {  	_ =	shalt  }
0x7e: {  	_ =	shalt  }
0x7f: {  	_ =	shalt  }
0x80: {  	_ =	shalt  }
0x81: {  	_ =	shalt  }
0x82: {  	_ =	shalt  }
0x83: {  	_ =	shalt  }
0x84: {  	_ =	shalt  }
0x85: {  	_ =	shalt  }
0x86: {  	_ =	shalt  }
0x87: {  	_ =	shalt  }
.Lfunc_end0:
.L_simem_size_0:
called_computation_lowered:
.L_overlay_start_0:
0x88: {  	s2 =	sld [smem:$0x3FD9]  }
0x89: {  	s3 =	sld [smem:$0x3FFE];
	_ =	sdelay $0x1  }
0x8a: {  	s1 =	srdreg.scid  }
0x8b: {  	s0 =	sand.u32 $0x1, s1  }
0x8c: {  	s17 =	sshll.u32 s0, $0xA;
	s2 =	sadd.s32 s3, s2  }
0x8d: {  	s2 =	sadd.s32 s2, s17  }
0x8e: {  	[smem:$0x3FC0] =	sst s2  }
0x8f: {  	_ = 	snop  }
0x90: {  	s2 =	sld [smem:$0x3FC9]  }
0x91: {  	s18 =	sld [smem:$0x3FD0];
	(tm) =	ssettm $0x1  }
0x92: {  	s4 =	sld [smem:$0x3FFB];
	_ =	sdelay $0x3  }
0x93: {  	_ =	strace s4  }
0x94: {  	s4 =	sld [smem:$0x3FFC];
	_ =	sdelay $0x3  }
0x95: {  	_ =	strace s4  }
0x96: {  	s4 =	sld [smem:$0x3FFD];
	_ =	sdelay $0x3  }
0x97: {  	_ =	strace s4  }
0x98: {  	_ =	strace $0x8FFFFFFF  }
0x99: {  	s19 =	sld [smem:$0x3FDB];
	_ =	sdelay $0x1  }
0x9a: {  	s5 =	simm.s32 $_scs_section_size  }
0x9b: {  	s6 =	simm.s32 $_size__tile_overlayer_lowered;
	s7 =	simm.s32 $_tile_overlayer_lowered  }
0x9c: {  	s22 =	simm.s32 $0x1BFF;
	s21 =	sshll.u32 s7, $0x1;
	s4 =	sadd.s32 s5, s19  }
0x9d: {  	s8 =	simm.s32 $0x0;
	s20 =	sshll.u32 s6, $0x1;
	s6 =	sadd.s32 s21, s4  }
0x9e: {  	[timem:s8], [sflag:s22] =	dma.local [hbm:s6], s20  }
0x9f: {  	_ =	swait.ge [sflag:s22], s20  }
0xa0: {  	s5 =	ssub.s32 $0x0, s20;
	[sflag:s22] =	ssyncset.done $0x0  }
0xa1: {  	[sflag:s22] =	ssyncadd.s32 s5;
	_ =	sdelay $0x1  }
0xa2: {  	s23 =	simm.s32 $0x1B8B  }
0xa3: {  	_ =	swait.ge [sflag:s23], $0x1  }
0xa4: {  	[sflag:s23] =	ssyncset.done $0x0  }
0xa5: {  	s25 =	simm.s32 $0x1B8E;
	s24 =	sld [smem:$0x3FFE];
	[sflag:s23] =	ssyncadd.s32 $0xFFFFFFFF  }
0xa6: {  	s26 =	simm.s32 $execute0_lowered;
	[smem:$0x3FD2] =	sst s25  }
0xa7: {  	s6 =	sshll.u32 s26, $0x1;
	_ =	strace $0x80000046;
	[dreg:$0x1] =	wrdreg $0xFFFFFFFF  }
0xa8: {  	s28 =	simm.s32 $_size_execute0_lowered;
	s4 =	sadd.s32 s4, s6;
	[dreg:$0x0] =	wrdreg $0x0  }
0xa9: {  	s6 =	sshll.u32 s28, $0x1;
	[dreg:$0x2] =	wrdreg s4  }
0xaa: {  	[dreg:$0x3] =	wrdreg s6  }
0xab: {  	[dreg:$0x4] =	wrdreg $0xC0  }
0xac: {  	_ =	task [dreg:s8], $0x5FFFF  }
0xad: {  	[dreg:$0x1] =	wrdreg $0xFFFFFFFF  }
0xae: {  	[dreg:$0x0] =	wrdreg $0x60  }
0xaf: {  	[dreg:$0x2] =	wrdreg s24  }
0xb0: {  	[dreg:$0x3] =	wrdreg s2  }
0xb1: {  	[dreg:$0x4] =	wrdreg s18  }
0xb2: {  	[dreg:$0x5] =	wrdreg $0x9  }
0xb3: {  	_ =	task.clear_ibuf [dreg:s8], $0x6FFFF;
	_ =	strace $0x90000046  }
0xb4: {  	s29 =	simm.s32 $0x9;
	_ =	strace $0x80000048  }
0xb5: {  	_ =	swait.ge [sflag:s29], $0x1  }
0xb6: {  	[sflag:s29] =	ssyncadd.s32 $0xFFFFFFFF  }
0xb7: {  	_ =	strace $0x90000048  }
0xb8: {  	_ =	sfence  }
0xb9: {  	s30 =	sld [smem:$0x0];
	_ =	sdelay $0x2  }
0xba: {  	s31 =	sshll.u32 s1, $0xD;
	s1 =	sshrl.u32 s1, $0x2  }
0xbb: {  	s3 =	sand.u32 $0x4000, s31;
	s1 =	sadd.s32 s1, s30  }
0xbc: {  	s0 =	sor.u32 s3, s0;
	s1 =	sshll.u32 s1, $0x11  }
0xbd: {  	s0 =	sor.u32 s1, s0  }
0xbe: {  	s0 =	sadd.s32 $0x8F2B, s0  }
0xbf: {  	[sflag:s0] =	ssyncadd.remote.s32 $0x1  }
0xc0: {  	_ =	sfence.sel $0xFFFF  }
0xc1: {  	[dreg:$0x0] =	wrdreg $0xFFFFFFFF;
	(pc) =	sbr.abs _section_cstart, $3  }
0xc2: {  	[dreg:$0x1] =	wrdreg $0xFFFFFFFF  }
0xc3: {  	_ =	task.clear_ibuf [dreg:s8], $0x2FFFF;
	_ =	strace $0x9FFFFFFF  }
0xc4: {  	(tm) =	ssettm $0x7FFFFFFF  }
0xc5: {  	_ =	shalt  }
tec
execute0_lowered:
.L_overlay_start_1:
0x0: {  	(tag) =	ssettag $0x1  }
0x1: {  	s4 =	rddreg [dreg:$0x0]  }
0x2: {  	s1 =	rddreg [dreg:$0x1];
	s2 =	srdreg.scid  }
0x3: {  	s0 =	stileid.u32;
	s7 =	rddreg [dreg:$0x2];
	s3 =	simm.s32 $0x0  }
0x4: {  	s12 =	simm.s32 $0x880;
	s13 =	simm.s32 $0x800;
	s14 =	simm.s32 $0x900  }
0x5: {  	s15 =	simm.s32 $0x1;
	s16 =	simm.s32 $0x0;
	s5 =	sand.u32 $0x1, s2  }
0x6: {  	s28 =	sshll.u32 s0, $0x1;
	s6 =	sshrl.u32 s0, $0x1;
	s2 =	rddreg [dreg:$0x3]  }
0x7: {  	[smem:$0x7FF] =	sst s3;
	s8 =	sor.u32 s5, s28;
	s9 =	sshll.u32 s6, $0x2  }
0x8: {  	v0 =	vimm.s32 $0x76543210;
	s6 =	sshll.u32 s6, $0x7;
	_ =	strace $0x80000047;
	s5 =	ssub.s32 $0x2, s5  }
0x9: {  	v0 =	vunpack.c.l.s4.s8 v0;
	s9 =	ssub.s32 s8, s9;
	s29 =	sshll.u32 s8, $0x8;
	s30 =	sshrl.u32 s5, $0x1  }
0xa: {  	s31 =	sshll.u32 s8, $0x4;
	s10 =	sshll.u32 s9, $0xE;
	s11 =	ssub.s32 s5, s30  }
0xb: {  	vm0 =	vmmov $0xffff;
	vm2 =	vcmask $0x1F00;
	v0 =	vunpack.c.0.s8.s32 v0;
	s5 =	sadd.s32 s7, s31;
	s6 =	sor.u32 s6, s10;
	s10 =	sadd.s32 s29, s4  }
0xc: {  	vm1 =	vmmov $0x1;
	v1 =	vlaneseq.u32;
	v2 =	vimm.s32 $0x1;
	s8 =	smax.u32 s11, $0x1;
	s11 =	simm.s32 $0x2;
	s6 =	sshrl.u32 s6, $0x3  }
0xd: {  	v4 =	vshrl.u32 v1, $0x1;
	v0 =	vnsel vm2, $0x7, v0;
	vm2 =	vcmask $0x300;
	s7 =	sadd.s32 $0x3600, s10;
	s10 =	simm.s32 $0x400;
	s6 =	sadd.s32 s6, s4  }
0xe: {  	v3 =	vand.u32 $0x1, v1;
	v4 =	vmul.u32 $0x8, v4;
	v2 =	vsel vm2, $0x0, v2;
	s4 =	sadd.s32 $0x1600, s6;
	s6 =	sshll.u32 s9, $0xB;
	s9 =	simm.s32 $0x80  }
.LBB2_1:
0xf: {  	[tilespmem:s3], [sflag:$0x2] =	stream.strided.gather [hbm4b:s4+s9], $0x800, s10, s9, $0x38;
	[tilespmem:$0x1100] =	vst v63  }
0x10: {  	_ =	swait.ge [sflag:s11], $0x800  }
0x11: {  	[sflag:s11] =	ssyncset.done $0x0  }
0x12: {  	s17 =	simm.s32 $0x0;
	[sflag:s11] =	ssyncadd.s32 $0xFFFFF800  }
0x13: {  	v5 =	vld [tilespmem:s17+$0x0];
	_ =	sdelay $0x3  }
0x14: {  	s30 =	simm.s32 $0x10  }
0x15: {  	v7 =	vld [tilespmem:s30+$0x0];
	v6 =	vmul.f32 $1.442695020e+00, v5;
	_ =	sdelay $0x1  }
0x16: {  	v8 =	vimm.f32 $-3.000000010e+38;
	(erf) = vpow2.f32 v6  }
0x17: {  	vm2 =	vgt.f32 v5, v8  }
0x18: {  	s31 =	simm.s32 $0x20;
	v9 =	vsel vm2, v5, v8;
	v5 =	vsel vm2, v5, v8;
	v6 =	vimm.s32 $0x800  }
0x19: {  	v13 =	vld [tilespmem:s31+$0x0];
	v9 =	vsel vm2, v8, v9;
	v8 =	vmul.f32 $1.442695020e+00, v7;
	v10 =	vsel vm2, v1, v6  }
0x1a: {  	v12 =	vadd.s32 $0x10, v1;
	v6 =	vsel vm2, v6, v10;
	vm2 =	vgt.f32 v7, v9  }
0x1b: {  	vm3 =	vgt.f32 v7, v5;
	(erf) = vpow2.f32 v8;
	v9 =	vsel vm2, v7, v9  }
0x1c: {  	v11 =	vsel vm2, v12, v6;
	v6 =	vimm.f32 $0.0e+00;
	v7 =	vsel vm3, v7, v5  }
0x1d: {  	v14 =	vsel vm3, v5, v9;
	v15 =	vsel vm3, v10, v11;
	v5 =	vsel vm3, v12, v10  }
0x1e: {  	s19 =	simm.s32 $0x30;
	v11 =	vmul.f32 $1.442695020e+00, v13;
	v12 =	vadd.s32 $0x10, v12;
	vm3 =	vgt.f32 v13, v14  }
0x1f: {  	s18 =	simm.s32 $0x100;
	s17 =	simm.s32 $0x140;
	v9 =	vld [tilespmem:s19+$0x0];
	vm2 =	vgt.f32 v13, v7;
	v14 =	vsel vm3, v13, v14;
	v10 =	vsel vm3, v12, v15;
	v8 =	vpop (erf)  }
.LBB2_2:
0x20: {  	p0 =	sne.s32 s17, $0x1FC0;
	v14 =	vsel vm2, v7, v14;
	v10 =	vsel vm2, v5, v10;
	v7 =	vsel vm2, v13, v7;
	s19 =	smov.u32 s17;
	s17 =	sadd.s32 $0x40, s17  }
.Ltmp0:
0x21: {  	v5 =	vsel vm2, v12, v5;
	v6 =	vadd.f32 v8, v6;
	(erf) = vpow2.f32 v11;
	(pc) =	sbr.rel @p0 .LBB2_2-.Ltmp0, $3  }
0x22: {  	_ =	sdelay $0x1  }
0x23: {  	s20 =	sshra.s32 s18, $0x2;
	v12 =	vadd.s32 $0x10, v12;
	s18 =	smov.u32 s19;
	vm3 =	vgt.f32 v9, v14;
	v11 =	vmul.f32 $1.442695020e+00, v9;
	v8 =	vpop (erf)  }
0x24: {  	vm2 =	vgt.f32 v9, v7;
	v13 =	vmovc v9;
	v14 =	vsel vm3, v9, v14;
	v10 =	vsel vm3, v12, v10;
	v9 =	vld [tilespmem:s20+$0x0]  }
0x25: {  	s17 =	sshra.s32 s18, $0x2  }
0x26: {  	v15 =	vld [tilespmem:s17+$0x0];
	_ =	sdelay $0x1  }
0x27: {  	v13 =	vsel vm2, v13, v7  }
0x28: {  	vm4 =	vgt.f32 v9, v13  }
0x29: {  	v16 =	vsel vm4, v9, v13  }
0x2a: {  	vm3 =	vgt.f32 v15, v16  }
0x2b: {  	v17 =	vsel vm3, v15, v16  }
0x2c: {  	(xrf0) =	vmax.scan.msk.f32 $0xffff, v17;
	_ =	sdelay $0x5  }
0x2d: {  	v18 =	vsel vm2, v12, v5;
	v56 =	vadd.s32 $0x10, v12;
	v19, _, _ =	vpop (xrf0)  }
0x2e: {  	v21 =	vadd.s32 $0x10, v56;
	v20 =	vsel vm4, v56, v18;
	v19 =	vbroadcast v19, $0xF  }
0x2f: {  	v22 =	vsel vm3, v21, v20  }
0x30: {  	v23 =	vxor.u32 $0x80000000, v22;
	vm5 =	veq.f32 v17, v19  }
0x31: {  	v23 =	vnsel vm5, $0x80000800, v23  }
0x32: {  	(xrf0) =	vmin.scan.msk.u32 $0xffff, v23;
	_ =	sdelay $0x5  }
0x33: {  	v23, _, _ =	vpop (xrf0)  }
0x34: {  	(v2sf) =	vpush v23, $0xF;
	_ =	sdelay $0xa  }
0x35: {  	v7 =	vsel vm2, v7, v14;
	(erf) = vpow2.f32 v11;
	v57 =	vmul.f32 $1.442695020e+00, v9  }
0x36: {  	vm15 =	vgt.f32 v9, v7  }
0x37: {  	v7 =	vsel vm15, v9, v7;
	(erf) = vpow2.f32 v57;
	v58 =	vmul.f32 $1.442695020e+00, v15  }
0x38: {  	v7 =	vsel vm4, v13, v7  }
0x39: {  	vm6 =	vgt.f32 v15, v7;
	(erf) = vpow2.f32 v58;
	s30 =	spop (v2sf)  }
0x3a: {  	v7 =	vsel vm6, v15, v7;
	s17 =	sxor.u32 $0x80000000, s30  }
0x3b: {  	v6 =	vadd.f32 v8, v6;
	v7 =	vsel vm3, v16, v7;
	vm7 =	veq.s32 v22, s17  }
0x3c: {  	v59 =	vpop (erf);
	v7 =	vsel vm7, v7, v17  }
0x3d: {  	v6 =	vadd.f32 v59, v6;
	(xrf0) =	vmax.scan.msk.f32 $0xffff, v7  }
0x3e: {  	v60 =	vpop (erf)  }
0x3f: {  	v6 =	vadd.f32 v60, v6  }
0x40: {  	v5 =	vsel vm2, v5, v10;
	v61 =	vpop (erf)  }
0x41: {  	v5 =	vsel vm15, v56, v5;
	v6 =	vadd.f32 v61, v6  }
0x42: {  	v5 =	vsel vm4, v18, v5;
	v62 =	vpop (erf)  }
0x43: {  	v5 =	vsel vm6, v21, v5;
	v6 =	vadd.f32 v62, v6;
	v63, _, _ =	vpop (xrf0)  }
0x44: {  	v5 =	vsel vm3, v20, v5;
	v8 =	vbroadcast v63, $0xF  }
0x45: {  	(xrf2) =	vadd.scan.msk.f32 $0xffff, v6;
	v5 =	vsel vm7, v5, v22  }
0x46: {  	v5 =	vxor.u32 $0x80000000, v5;
	vm2 =	veq.f32 v7, v8  }
0x47: {  	v5 =	vnsel vm2, $0x80000800, v5  }
0x48: {  	(xrf0) =	vmin.scan.msk.u32 $0xffff, v5;
	_ =	sdelay $0x5  }
0x49: {  	v5 =	vsel vm1, v19, v8;
	v6, _, _ =	vpop (xrf0)  }
0x4a: {  	v7, _, _ =	vpop (xrf2);
	v5 =	vmul.f32 $1.442695020e+00, v5;
	(v2sf) =	vpush v6, $0xF  }
0x4b: {  	v6 =	vbroadcast v7, $0xF  }
0x4c: {  	(erf) = vpow2.f32 v5  }
0x4d: {  	(erf) = vrcp.f32 v6;
	_ =	sdelay $0x7  }
0x4e: {  	v5 =	vpop (erf)  }
0x4f: {  	v6 =	vpop (erf)  }
0x50: {  	v5 =	vmul.f32 v5, v6;
	_ =	sdelay $0x1  }
0x51: {  	[tilespmem:v0+s12+$0x0] =	vst.idx.msk $0xff, v5;
	s31 =	spop (v2sf)  }
0x52: {  	[hbm4b:s5+s3] =	stream.linear.scatter [tilespmem:s12], [sflag:$0x2], $0x80, $0x38;
	[tilespmem:$0x1100] =	vst v63  }
0x53: {  	s18 =	sadd.s32 s31, s6  }
0x54: {  	_ =	swait.ge [sflag:s11], $0x80;
	s18 =	sadd.s32 $0x80000000, s18  }
0x55: {  	s17 =	sadd.s32 s6, s17;
	vm2 =	veq.s32 v1, $0x0;
	[sflag:s11] =	ssyncset.done $0x0;
	v5 =	vmov s18  }
0x56: {  	[sflag:s11] =	ssyncadd.s32 $0xFFFFFF80;
	v5 =	vsel vm2, s17, v5  }
0x57: {  	[tilespmem:v2+s13+$0x0] =	vst.idx.msk $0x3, v5  }
0x58: {  	v5 =	vld.msk [tilespmem:$0x800], $0x3;
	_ =	sdelay $0x4  }
0x59: {  	v6 =	vshll.u32 v5, $0x3  }
0x5a: {  	v5 =	vand.u32 $0x7, v5;
	v6 =	vand.u32 $0xFFFFFFC0, v6  }
0x5b: {  	v5 =	vor.u32 v5, v6  }
0x5c: {  	v5 =	vperm.xlane v5, v3;
	_ =	sdelay $0x1  }
0x5d: {  	v5 =	vadd.s32 v4, v5;
	_ =	sdelay $0x4  }
0x5e: {  	[tilespmem:s14], [sflag:$0x1] =	stream.indirect_vreg.gather [hbm4b:s1+s3], $0x80, v5, vm0, $0xb8;
	[tilespmem:$0x1100] =	vst v63  }
0x5f: {  	s16 =	sadd.s32 $0x1, s16;
	_ =	swait.ge [sflag:s15], $0x800  }
0x60: {  	p0 =	sne.s32 s16, s8;
	[sflag:s15] =	ssyncset.done $0x0  }
.Ltmp1:
0x61: {  	[sflag:s15] =	ssyncadd.s32 $0xFFFFF800;
	(pc) =	sbr.rel @p0 .LBB2_1-.Ltmp1, $4  }
0x62: {  	[hbm4b:s7+s3] =	stream.linear.scatter [tilespmem:s14], [sflag:$0x2], $0x800, $0x38;
	[tilespmem:$0x1100] =	vst v63  }
0x63: {  	_ =	swait.ge [sflag:s11], $0x800  }
0x64: {  	[sflag:s11] =	ssyncset.done $0x0  }
0x65: {  	[sflag:s11] =	ssyncadd.s32 $0xFFFFF800  }
0x66: {  	_ =	sfence.sel $0x180000  }
0x67: {  	[bflag:$0x0] =	sbarrier.arrive $0xFFFF  }
0x68: {  	p0 =	sne.s32 s0, $0x0;
	_ =	strace $0x90000047  }
0x69: {  	s0 =	sadd.s32 @!p0 $0x100000, s2;
	[bflag:$0x2] =	sbarrier.arrive $0xFFFF  }
0x6a: {  	[sflag:s0] =	ssyncadd.tile.s32 @!p0 $0x1;
	_ =	shalt  }
.Lfunc_end2:
_tile_overlayer_lowered:
.L_overlay_start_2:
0x6b: {  	(tag) =	ssettag $0x2  }
0x6c: {  	s0 =	rddreg [dreg:$0x0];
	s2 =	stileid.u32  }
0x6d: {  	s1 =	rddreg [dreg:$0x1];
	p0 =	sne.s32 s2, $0x0  }
0x6e: {  	s3 =	rddreg [dreg:$0x2];
	[bflag:$0x3] =	sbarrier.arrive $0xFFFF;
	s2 =	simm.s32 @!p0 $0x1C02  }
0x6f: {  	[timem:s3], [sflag:s2] =	dma.local @!p0 [hbm:s0], s1  }
0x70: {  	s0 =	simm.s32 @!p0 $0x2  }
0x71: {  	_ =	swait.ge @!p0 [sflag:s0], s1  }
0x72: {  	s1 =	ssub.s32 @!p0 $0x0, s1;
	[sflag:s0] =	ssyncset.done @!p0 $0x0  }
0x73: {  	[sflag:s0] =	ssyncadd.s32 @!p0 s1  }
0x74: {  	[bflag:$0x3] =	sbarrier.arrive $0xFFFF  }
0x75: {  	_ =	shalt  }

</sc_bundles>
